<compile_context>
chip_gen: v7x
topology: tpu7x:2x2x1
jax: 0.10.2.dev20260603
libtpu: 0.0.44.dev20260713+nightly
codegen_flags: <defaults>
</compile_context>

<pallas_src>
import functools

import jax
import jax.numpy as jnp
from jax import lax
from jax.experimental import pallas as pl
from jax.experimental.pallas import tpu as pltpu
from jax.experimental.pallas import tpu_sc as plsc

_N_NODES = 10000
_D = 128
_PAD = 10240
_CHUNK = 128
_NCHUNK = 2500
_NTILES = 32
_PER = 78
_SLICE = _PAD // 16

_mesh = plsc.VectorSubcoreMesh(core_axis_name="c", subcore_axis_name="s")


@functools.partial(
    pl.kernel,
    out_type=jax.ShapeDtypeStruct((2, _PAD), jnp.float32),
    mesh=_mesh,
    scratch_types=[
        pltpu.VMEM((_PER + 1, _CHUNK), jnp.int32),
        pltpu.VMEM((_CHUNK,), jnp.float32),
        pltpu.VMEM((_SLICE,), jnp.float32),
        pltpu.VMEM_SHARED((_PAD,), jnp.float32),
        pltpu.SemaphoreType.DMA,
        pltpu.SemaphoreType.DMA,
    ],
)
def _degree_hist(edges_hbm, out_hbm,
                 idx_v, ones_v, zer_v, hist_sh, sem_ld, sem_sc):
    cid = lax.axis_index("c")
    sid = lax.axis_index("s")
    w = cid * 16 + sid
    n_extra = _NCHUNK - _NTILES * _PER

    @pl.loop(0, _CHUNK // 16)
    def _(i):
        ones_v[pl.ds(i * 16, 16)] = jnp.full((16,), 1.0, jnp.float32)

    @pl.loop(0, _SLICE // 16)
    def _(i):
        zer_v[pl.ds(i * 16, 16)] = jnp.zeros((16,), jnp.float32)

    @pl.loop(0, _PER)
    def _(k):
        c = w + _NTILES * k
        pltpu.async_copy(edges_hbm.at[0, pl.ds(c * _CHUNK, _CHUNK)],
                         idx_v.at[k], sem_ld)

    @pl.when(w < n_extra)
    def _():
        c = _NTILES * _PER + w
        pltpu.async_copy(edges_hbm.at[0, pl.ds(c * _CHUNK, _CHUNK)],
                         idx_v.at[_PER], sem_ld)

    pltpu.sync_copy(zer_v, hist_sh.at[pl.ds(sid * _SLICE, _SLICE)])
    plsc.subcore_barrier()

    @pl.loop(0, _PER)
    def _(k):
        c = w + _NTILES * k
        pltpu.make_async_copy(edges_hbm.at[0, pl.ds(c * _CHUNK, _CHUNK)],
                              idx_v.at[k], sem_ld).wait()
        pltpu.async_copy(ones_v, hist_sh.at[idx_v.at[k]], sem_sc, add=True)

    @pl.when(w < n_extra)
    def _():
        c = _NTILES * _PER + w
        pltpu.make_async_copy(edges_hbm.at[0, pl.ds(c * _CHUNK, _CHUNK)],
                              idx_v.at[_PER], sem_ld).wait()
        pltpu.async_copy(ones_v, hist_sh.at[idx_v.at[_PER]], sem_sc, add=True)

    @pl.loop(0, _PER)
    def _(k):
        pltpu.make_async_copy(ones_v, hist_sh.at[idx_v.at[k]], sem_sc).wait()

    @pl.when(w < n_extra)
    def _():
        pltpu.make_async_copy(ones_v, hist_sh.at[idx_v.at[_PER]],
                              sem_sc).wait()

    plsc.subcore_barrier()

    sl = pl.ds(sid * _SLICE, _SLICE)
    pltpu.sync_copy(hist_sh.at[sl], out_hbm.at[cid, sl])


_ROWS = 2048


def _norm_block(x_ref, h_ref, a_ref, o_ref, inv_ref):
    i = pl.program_id(0)

    @pl.when(i == 0)
    def _():
        deg = h_ref[0:1, :] + h_ref[1:2, :]
        a = a_ref[0]
        inv_ref[...] = jnp.exp(-a * jnp.log(deg + 1.0))

    off = pl.multiple_of(i * _ROWS, 128)
    inv = inv_ref[0:1, pl.ds(off, _ROWS)]
    n_col = jnp.reshape(inv, (_ROWS, 1))
    o_ref[...] = x_ref[...] * n_col


def _normalize(x, hist, a_arr):
    return pl.pallas_call(
        _norm_block,
        grid=(pl.cdiv(_N_NODES, _ROWS),),
        in_specs=[
            pl.BlockSpec((_ROWS, _D), lambda i: (i, 0)),
            pl.BlockSpec((2, _PAD), lambda i: (0, 0)),
            pl.BlockSpec(memory_space=pltpu.SMEM),
        ],
        out_specs=pl.BlockSpec((_ROWS, _D), lambda i: (i, 0)),
        out_shape=jax.ShapeDtypeStruct((_N_NODES, _D), jnp.float32),
        scratch_shapes=[pltpu.VMEM((1, _PAD), jnp.float32)],
    )(x, hist, a_arr)


def kernel(x, edge_index, a):
    hist = _degree_hist(edge_index)
    a_arr = jnp.asarray(a, jnp.float32).reshape(1)
    return _normalize(x, hist, a_arr)

# --- scband reference (transcript-rebuilt; emitter-appended) ---
"""Pipeline reference for scband-degree-norm-75788992905523 (READ-ONLY COPY).

The authoritative reference and input builder live on the scoring server;
editing this copy changes nothing except your own understanding.
"""

import jax, jax.numpy as jnp
import numpy as np

N_NODES = 10000
N_EDGES = 320000
D_FEAT = 128


def setup_inputs(seed: int = 0) -> dict:
    key = jax.random.key(seed)
    k1, k2 = jax.random.split(key)
    x = jax.random.normal(k1, (N_NODES, D_FEAT), dtype=jnp.float32)
    edge_index = jax.random.randint(k2, (2, N_EDGES), 0, N_NODES, dtype=jnp.int32)
    a = jnp.asarray(0.5, dtype=jnp.float32)  # learned scalar nn.Parameter
    return {"x": x, "edge_index": edge_index, "a": a}


def reference(x, edge_index, a):
    # degree = pyg_utils.degree(edge_index[0], num_nodes=x.size(0))
    src = edge_index[0]
    degree = jnp.zeros((x.shape[0],), dtype=x.dtype).at[src].add(1.0)
    # n = (degree + 1) ** a
    n = jnp.power(degree + 1.0, a)
    # return x / n.unsqueeze(-1)
    return x / n[:, None]

if __name__ == "__main__":
    import jax
    _d = setup_inputs()
    print(jax.jit(kernel)(*tuple(_d.values())))

</pallas_src>

<mosaic_0001>
#map = affine_map<(d0, d1) -> (0, 0)>
module attributes {stable_mosaic.version = 14 : i64} {
  func.func @_degree_hist(%arg0: i32, %arg1: i32, %arg2: memref<2x320000xi32, #tpu.memory_space<hbm>>, %arg3: memref<2x10240xf32, #tpu.memory_space<hbm>>, %arg4: memref<79x128xi32, #tpu.memory_space<vmem>>, %arg5: memref<128xf32, #tpu.memory_space<vmem>>, %arg6: memref<640xf32, #tpu.memory_space<vmem>>, %arg7: memref<10240xf32, #tpu.memory_space<vmem_shared>>, %arg8: memref<!tpu.dma_semaphore, #tpu.memory_space<semaphore_mem>>, %arg9: memref<!tpu.dma_semaphore, #tpu.memory_space<semaphore_mem>>) attributes {dimension_semantics = [#tpu.dimension_semantics<core_parallel>, #tpu.dimension_semantics<subcore_parallel>], iteration_bounds = array<i64: 2, 16>, scalar_prefetch = 0 : i64, scratch_operands = 6 : i64, tpu.core_type = #tpu.core_type<sc_vector_subcore>, window_params = [{transform_indices = #map}, {transform_indices = #map}]} {
    %mul3A = arith.constant 16 : i32
    %mul3A_0 = arith.muli %arg0, %mul3A : i32
    %add3A = arith.addi %mul3A_0, %arg1 : i32
    %scan3A = arith.constant 0 : i32
    %scan3A_1 = arith.constant 8 : i32
    %scan3A_2 = arith.addi %scan3A, %scan3A_1 : i32
    %scan3A_3 = arith.constant 1 : i32
    scf.for %scan3A_42 = %scan3A to %scan3A_2 step %scan3A_3  : i32 {
      %mul3A_43 = arith.constant 1 : i32
      %mul3A_44 = arith.muli %scan3A_42, %mul3A_43 : i32
      %add3A_45 = arith.constant 0 : i32
      %add3A_46 = arith.addi %add3A_45, %mul3A_44 : i32
      %broadcast_in_dim3A = arith.constant 1.000000e+00 : f32
      %broadcast_in_dim3A_47 = vector.broadcast %broadcast_in_dim3A : f32 to vector<16xf32>
      %mul3A_48 = arith.constant 16 : i32
      %mul3A_49 = arith.muli %add3A_46, %mul3A_48 : i32
      %swap3A = arith.index_cast %mul3A_49 : i32 to index
      %swap3A_50 = tpu.vector_load %arg5[%swap3A] {strides = array<i32>} : memref<128xf32, #tpu.memory_space<vmem>>, vector<16xf32>,
      %swap3A_51 = vector.shape_cast %swap3A_50 : vector<16xf32> to vector<16xf32>
      %swap3A_52 = vector.shape_cast %broadcast_in_dim3A_47 : vector<16xf32> to vector<16xf32>
      tpu.vector_store %arg5[%swap3A], %swap3A_52 {strides = array<i32>} : memref<128xf32, #tpu.memory_space<vmem>>, vector<16xf32>,
    }
    %scan3A_4 = arith.constant 8 : i32
    %scan3A_5 = arith.constant 0 : i32
    %scan3A_6 = arith.constant 40 : i32
    %scan3A_7 = arith.addi %scan3A_5, %scan3A_6 : i32
    %scan3A_8 = arith.constant 1 : i32
    scf.for %scan3A_42 = %scan3A_5 to %scan3A_7 step %scan3A_8  : i32 {
      %mul3A_43 = arith.constant 1 : i32
      %mul3A_44 = arith.muli %scan3A_42, %mul3A_43 : i32
      %add3A_45 = arith.constant 0 : i32
      %add3A_46 = arith.addi %add3A_45, %mul3A_44 : i32
      %broadcast_in_dim3A = arith.constant 0.000000e+00 : f32
      %broadcast_in_dim3A_47 = vector.broadcast %broadcast_in_dim3A : f32 to vector<16xf32>
      %mul3A_48 = arith.constant 16 : i32
      %mul3A_49 = arith.muli %add3A_46, %mul3A_48 : i32
      %swap3A = arith.index_cast %mul3A_49 : i32 to index
      %swap3A_50 = tpu.vector_load %arg6[%swap3A] {strides = array<i32>} : memref<640xf32, #tpu.memory_space<vmem>>, vector<16xf32>,
      %swap3A_51 = vector.shape_cast %swap3A_50 : vector<16xf32> to vector<16xf32>
      %swap3A_52 = vector.shape_cast %broadcast_in_dim3A_47 : vector<16xf32> to vector<16xf32>
      tpu.vector_store %arg6[%swap3A], %swap3A_52 {strides = array<i32>} : memref<640xf32, #tpu.memory_space<vmem>>, vector<16xf32>,
    }
    %scan3A_9 = arith.constant 40 : i32
    %scan3A_10 = arith.constant 0 : i32
    %scan3A_11 = arith.constant 78 : i32
    %scan3A_12 = arith.addi %scan3A_10, %scan3A_11 : i32
    %scan3A_13 = arith.constant 1 : i32
    scf.for %scan3A_42 = %scan3A_10 to %scan3A_12 step %scan3A_13  : i32 {
      %mul3A_43 = arith.constant 1 : i32
      %mul3A_44 = arith.muli %scan3A_42, %mul3A_43 : i32
      %add3A_45 = arith.constant 0 : i32
      %add3A_46 = arith.addi %add3A_45, %mul3A_44 : i32
      %mul3A_47 = arith.constant 32 : i32
      %mul3A_48 = arith.muli %mul3A_47, %add3A_46 : i32
      %add3A_49 = arith.addi %add3A, %mul3A_48 : i32
      %mul3A_50 = arith.constant 128 : i32
      %mul3A_51 = arith.muli %add3A_49, %mul3A_50 : i32
      %dma_start3A = arith.constant 0 : i32
      %dma_start3A_52 = arith.constant 0 : i32
      %dma_start3A_53 = tpu.memref_slice %arg4[%add3A_46, %dma_start3A_52] : memref<79x128xi32, #tpu.memory_space<vmem>> -> memref<1x128xi32, #tpu.memory_space<vmem>>
      %dma_start3A_54 = tpu.memref_squeeze %dma_start3A_53 : memref<1x128xi32, #tpu.memory_space<vmem>> -> memref<128xi32, #tpu.memory_space<vmem>>
      %dma_start3A_55 = tpu.memref_slice %arg2[%dma_start3A, %mul3A_51] : memref<2x320000xi32, #tpu.memory_space<hbm>> -> memref<1x128xi32, #tpu.memory_space<hbm>>
      %dma_start3A_56 = tpu.memref_squeeze %dma_start3A_55 : memref<1x128xi32, #tpu.memory_space<hbm>> -> memref<128xi32, #tpu.memory_space<hbm>>
      %dma_start3A_57 = arith.constant 0 : i32
      %dma_start3A_58 = tpu.memref_slice %arg4[%add3A_46, %dma_start3A_57] : memref<79x128xi32, #tpu.memory_space<vmem>> -> memref<1x128xi32, #tpu.memory_space<vmem>>
      %dma_start3A_59 = tpu.memref_squeeze %dma_start3A_58 : memref<1x128xi32, #tpu.memory_space<vmem>> -> memref<128xi32, #tpu.memory_space<vmem>>
      %dma_start3A_60 = tpu.memref_slice %arg2[%dma_start3A, %mul3A_51] : memref<2x320000xi32, #tpu.memory_space<hbm>> -> memref<1x128xi32, #tpu.memory_space<hbm>>
      %dma_start3A_61 = tpu.memref_squeeze %dma_start3A_60 : memref<1x128xi32, #tpu.memory_space<hbm>> -> memref<128xi32, #tpu.memory_space<hbm>>
      tpu.enqueue_dma source(%dma_start3A_61 : memref<128xi32, #tpu.memory_space<hbm>>) target(%dma_start3A_59 : memref<128xi32, #tpu.memory_space<vmem>>) target_semaphore(%arg8 : memref<!tpu.dma_semaphore, #tpu.memory_space<semaphore_mem>>)
    }
    %scan3A_14 = arith.constant 78 : i32
    %lt3A = arith.constant 4 : i32
    %lt3A_15 = arith.cmpi slt, %add3A, %lt3A : i32
    %convert_element_type3A = arith.extui %lt3A_15 : i1 to i32
    %cond3A = arith.constant 0 : i32
    %cond3A_16 = arith.cmpi ne, %convert_element_type3A, %cond3A : i32
    scf.if %cond3A_16 {
      %add3A_42 = arith.constant 2496 : i32
      %add3A_43 = arith.addi %add3A_42, %add3A : i32
      %mul3A_44 = arith.constant 128 : i32
      %mul3A_45 = arith.muli %add3A_43, %mul3A_44 : i32
      %dma_start3A = arith.constant 0 : i32
      %dma_start3A_46 = arith.constant 78 : i32
      %dma_start3A_47 = arith.constant 0 : i32
      %dma_start3A_48 = tpu.memref_slice %arg4[%dma_start3A_46, %dma_start3A_47] : memref<79x128xi32, #tpu.memory_space<vmem>> -> memref<1x128xi32, #tpu.memory_space<vmem>>
      %dma_start3A_49 = tpu.memref_squeeze %dma_start3A_48 : memref<1x128xi32, #tpu.memory_space<vmem>> -> memref<128xi32, #tpu.memory_space<vmem>>
      %dma_start3A_50 = tpu.memref_slice %arg2[%dma_start3A, %mul3A_45] : memref<2x320000xi32, #tpu.memory_space<hbm>> -> memref<1x128xi32, #tpu.memory_space<hbm>>
      %dma_start3A_51 = tpu.memref_squeeze %dma_start3A_50 : memref<1x128xi32, #tpu.memory_space<hbm>> -> memref<128xi32, #tpu.memory_space<hbm>>
      %dma_start3A_52 = arith.constant 0 : i32
      %dma_start3A_53 = tpu.memref_slice %arg4[%dma_start3A_46, %dma_start3A_52] : memref<79x128xi32, #tpu.memory_space<vmem>> -> memref<1x128xi32, #tpu.memory_space<vmem>>
      %dma_start3A_54 = tpu.memref_squeeze %dma_start3A_53 : memref<1x128xi32, #tpu.memory_space<vmem>> -> memref<128xi32, #tpu.memory_space<vmem>>
      %dma_start3A_55 = tpu.memref_slice %arg2[%dma_start3A, %mul3A_45] : memref<2x320000xi32, #tpu.memory_space<hbm>> -> memref<1x128xi32, #tpu.memory_space<hbm>>
      %dma_start3A_56 = tpu.memref_squeeze %dma_start3A_55 : memref<1x128xi32, #tpu.memory_space<hbm>> -> memref<128xi32, #tpu.memory_space<hbm>>
      tpu.enqueue_dma source(%dma_start3A_56 : memref<128xi32, #tpu.memory_space<hbm>>) target(%dma_start3A_54 : memref<128xi32, #tpu.memory_space<vmem>>) target_semaphore(%arg8 : memref<!tpu.dma_semaphore, #tpu.memory_space<semaphore_mem>>)
    } else {
    }
    %mul3A_17 = arith.constant 640 : i32
    %mul3A_18 = arith.muli %arg1, %mul3A_17 : i32
    "tpu.region"() ({
      %run_scoped3A = tpu.sem_alloc : memref<!tpu.dma_semaphore, #tpu.memory_space<semaphore_mem>>
      %dma_start3A = tpu.memref_slice %arg7[%mul3A_18] : memref<10240xf32, #tpu.memory_space<vmem_shared>> -> memref<640xf32, #tpu.memory_space<vmem_shared>>
      %dma_start3A_42 = tpu.memref_slice %arg7[%mul3A_18] : memref<10240xf32, #tpu.memory_space<vmem_shared>> -> memref<640xf32, #tpu.memory_space<vmem_shared>>
      tpu.enqueue_dma source(%arg6 : memref<640xf32, #tpu.memory_space<vmem>>) target(%dma_start3A_42 : memref<640xf32, #tpu.memory_space<vmem_shared>>) target_semaphore(%run_scoped3A : memref<!tpu.dma_semaphore, #tpu.memory_space<semaphore_mem>>)
      %dma_wait3A = tpu.memref_slice %arg7[%mul3A_18] : memref<10240xf32, #tpu.memory_space<vmem_shared>> -> memref<640xf32, #tpu.memory_space<vmem_shared>>
      %dma_wait3A_43 = tpu.memref_slice %arg7[%mul3A_18] : memref<10240xf32, #tpu.memory_space<vmem_shared>> -> memref<640xf32, #tpu.memory_space<vmem_shared>>
      tpu.wait_dma2 semaphore(%run_scoped3A : memref<!tpu.dma_semaphore, #tpu.memory_space<semaphore_mem>>) src(%arg6 : memref<640xf32, #tpu.memory_space<vmem>>) dst(%dma_wait3A_43 : memref<640xf32, #tpu.memory_space<vmem_shared>>)
      tpu.yield
    }) : () -> ()
    %barrier3A = arith.constant 0 : index
    tpu.barrier barrier_id(%barrier3A)
    %scan3A_19 = arith.constant 0 : i32
    %scan3A_20 = arith.constant 78 : i32
    %scan3A_21 = arith.addi %scan3A_19, %scan3A_20 : i32
    %scan3A_22 = arith.constant 1 : i32
    scf.for %scan3A_42 = %scan3A_19 to %scan3A_21 step %scan3A_22  : i32 {
      %mul3A_43 = arith.constant 1 : i32
      %mul3A_44 = arith.muli %scan3A_42, %mul3A_43 : i32
      %add3A_45 = arith.constant 0 : i32
      %add3A_46 = arith.addi %add3A_45, %mul3A_44 : i32
      %mul3A_47 = arith.constant 32 : i32
      %mul3A_48 = arith.muli %mul3A_47, %add3A_46 : i32
      %add3A_49 = arith.addi %add3A, %mul3A_48 : i32
      %mul3A_50 = arith.constant 128 : i32
      %mul3A_51 = arith.muli %add3A_49, %mul3A_50 : i32
      %dma_wait3A = arith.constant 0 : i32
      %dma_wait3A_52 = arith.constant 0 : i32
      %dma_wait3A_53 = tpu.memref_slice %arg4[%add3A_46, %dma_wait3A_52] : memref<79x128xi32, #tpu.memory_space<vmem>> -> memref<1x128xi32, #tpu.memory_space<vmem>>
      %dma_wait3A_54 = tpu.memref_squeeze %dma_wait3A_53 : memref<1x128xi32, #tpu.memory_space<vmem>> -> memref<128xi32, #tpu.memory_space<vmem>>
      %dma_wait3A_55 = tpu.memref_slice %arg2[%dma_wait3A, %mul3A_51] : memref<2x320000xi32, #tpu.memory_space<hbm>> -> memref<1x128xi32, #tpu.memory_space<hbm>>
      %dma_wait3A_56 = tpu.memref_squeeze %dma_wait3A_55 : memref<1x128xi32, #tpu.memory_space<hbm>> -> memref<128xi32, #tpu.memory_space<hbm>>
      %dma_wait3A_57 = arith.constant 0 : i32
      %dma_wait3A_58 = tpu.memref_slice %arg4[%add3A_46, %dma_wait3A_57] : memref<79x128xi32, #tpu.memory_space<vmem>> -> memref<1x128xi32, #tpu.memory_space<vmem>>
      %dma_wait3A_59 = tpu.memref_squeeze %dma_wait3A_58 : memref<1x128xi32, #tpu.memory_space<vmem>> -> memref<128xi32, #tpu.memory_space<vmem>>
      %dma_wait3A_60 = tpu.memref_slice %arg2[%dma_wait3A, %mul3A_51] : memref<2x320000xi32, #tpu.memory_space<hbm>> -> memref<1x128xi32, #tpu.memory_space<hbm>>
      %dma_wait3A_61 = tpu.memref_squeeze %dma_wait3A_60 : memref<1x128xi32, #tpu.memory_space<hbm>> -> memref<128xi32, #tpu.memory_space<hbm>>
      tpu.wait_dma2 semaphore(%arg8 : memref<!tpu.dma_semaphore, #tpu.memory_space<semaphore_mem>>) src(%dma_wait3A_61 : memref<128xi32, #tpu.memory_space<hbm>>) dst(%dma_wait3A_59 : memref<128xi32, #tpu.memory_space<vmem>>)
      %dma_start3A = arith.constant 0 : i32
      %dma_start3A_62 = tpu.memref_slice %arg4[%add3A_46, %dma_start3A] : memref<79x128xi32, #tpu.memory_space<vmem>> -> memref<1x128xi32, #tpu.memory_space<vmem>>
      %dma_start3A_63 = tpu.memref_squeeze %dma_start3A_62 : memref<1x128xi32, #tpu.memory_space<vmem>> -> memref<128xi32, #tpu.memory_space<vmem>>
      %dma_start3A_64 = arith.constant 0 : i32
      %dma_start3A_65 = tpu.memref_slice %arg7[%dma_start3A_64] : memref<10240xf32, #tpu.memory_space<vmem_shared>> -> memref<10240xf32, #tpu.memory_space<vmem_shared>>
      tpu.enqueue_indirect_dma source(%arg5 : memref<128xf32, #tpu.memory_space<vmem>>) target(%dma_start3A_65 : memref<10240xf32, #tpu.memory_space<vmem_shared>>) offsets(%dma_start3A_63 : memref<128xi32, #tpu.memory_space<vmem>>) semaphore(%arg9 : memref<!tpu.dma_semaphore, #tpu.memory_space<semaphore_mem>>) {add = true}
    }
    %scan3A_23 = arith.constant 78 : i32
    %lt3A_24 = arith.constant 4 : i32
    %lt3A_25 = arith.cmpi slt, %add3A, %lt3A_24 : i32
    %convert_element_type3A_26 = arith.extui %lt3A_25 : i1 to i32
    %cond3A_27 = arith.constant 0 : i32
    %cond3A_28 = arith.cmpi ne, %convert_element_type3A_26, %cond3A_27 : i32
    scf.if %cond3A_28 {
      %add3A_42 = arith.constant 2496 : i32
      %add3A_43 = arith.addi %add3A_42, %add3A : i32
      %mul3A_44 = arith.constant 128 : i32
      %mul3A_45 = arith.muli %add3A_43, %mul3A_44 : i32
      %dma_wait3A = arith.constant 0 : i32
      %dma_wait3A_46 = arith.constant 78 : i32
      %dma_wait3A_47 = arith.constant 0 : i32
      %dma_wait3A_48 = tpu.memref_slice %arg4[%dma_wait3A_46, %dma_wait3A_47] : memref<79x128xi32, #tpu.memory_space<vmem>> -> memref<1x128xi32, #tpu.memory_space<vmem>>
      %dma_wait3A_49 = tpu.memref_squeeze %dma_wait3A_48 : memref<1x128xi32, #tpu.memory_space<vmem>> -> memref<128xi32, #tpu.memory_space<vmem>>
      %dma_wait3A_50 = tpu.memref_slice %arg2[%dma_wait3A, %mul3A_45] : memref<2x320000xi32, #tpu.memory_space<hbm>> -> memref<1x128xi32, #tpu.memory_space<hbm>>
      %dma_wait3A_51 = tpu.memref_squeeze %dma_wait3A_50 : memref<1x128xi32, #tpu.memory_space<hbm>> -> memref<128xi32, #tpu.memory_space<hbm>>
      %dma_wait3A_52 = arith.constant 0 : i32
      %dma_wait3A_53 = tpu.memref_slice %arg4[%dma_wait3A_46, %dma_wait3A_52] : memref<79x128xi32, #tpu.memory_space<vmem>> -> memref<1x128xi32, #tpu.memory_space<vmem>>
      %dma_wait3A_54 = tpu.memref_squeeze %dma_wait3A_53 : memref<1x128xi32, #tpu.memory_space<vmem>> -> memref<128xi32, #tpu.memory_space<vmem>>
      %dma_wait3A_55 = tpu.memref_slice %arg2[%dma_wait3A, %mul3A_45] : memref<2x320000xi32, #tpu.memory_space<hbm>> -> memref<1x128xi32, #tpu.memory_space<hbm>>
      %dma_wait3A_56 = tpu.memref_squeeze %dma_wait3A_55 : memref<1x128xi32, #tpu.memory_space<hbm>> -> memref<128xi32, #tpu.memory_space<hbm>>
      tpu.wait_dma2 semaphore(%arg8 : memref<!tpu.dma_semaphore, #tpu.memory_space<semaphore_mem>>) src(%dma_wait3A_56 : memref<128xi32, #tpu.memory_space<hbm>>) dst(%dma_wait3A_54 : memref<128xi32, #tpu.memory_space<vmem>>)
      %dma_start3A = arith.constant 78 : i32
      %dma_start3A_57 = arith.constant 0 : i32
      %dma_start3A_58 = tpu.memref_slice %arg4[%dma_start3A, %dma_start3A_57] : memref<79x128xi32, #tpu.memory_space<vmem>> -> memref<1x128xi32, #tpu.memory_space<vmem>>
      %dma_start3A_59 = tpu.memref_squeeze %dma_start3A_58 : memref<1x128xi32, #tpu.memory_space<vmem>> -> memref<128xi32, #tpu.memory_space<vmem>>
      %dma_start3A_60 = arith.constant 0 : i32
      %dma_start3A_61 = tpu.memref_slice %arg7[%dma_start3A_60] : memref<10240xf32, #tpu.memory_space<vmem_shared>> -> memref<10240xf32, #tpu.memory_space<vmem_shared>>
      tpu.enqueue_indirect_dma source(%arg5 : memref<128xf32, #tpu.memory_space<vmem>>) target(%dma_start3A_61 : memref<10240xf32, #tpu.memory_space<vmem_shared>>) offsets(%dma_start3A_59 : memref<128xi32, #tpu.memory_space<vmem>>) semaphore(%arg9 : memref<!tpu.dma_semaphore, #tpu.memory_space<semaphore_mem>>) {add = true}
    } else {
    }
    %scan3A_29 = arith.constant 0 : i32
    %scan3A_30 = arith.constant 78 : i32
    %scan3A_31 = arith.addi %scan3A_29, %scan3A_30 : i32
    %scan3A_32 = arith.constant 1 : i32
    scf.for %scan3A_42 = %scan3A_29 to %scan3A_31 step %scan3A_32  : i32 {
      %mul3A_43 = arith.constant 1 : i32
      %mul3A_44 = arith.muli %scan3A_42, %mul3A_43 : i32
      %add3A_45 = arith.constant 0 : i32
      %add3A_46 = arith.addi %add3A_45, %mul3A_44 : i32
      %dma_wait3A = arith.constant 0 : i32
      %dma_wait3A_47 = tpu.memref_slice %arg4[%add3A_46, %dma_wait3A] : memref<79x128xi32, #tpu.memory_space<vmem>> -> memref<1x128xi32, #tpu.memory_space<vmem>>
      %dma_wait3A_48 = tpu.memref_squeeze %dma_wait3A_47 : memref<1x128xi32, #tpu.memory_space<vmem>> -> memref<128xi32, #tpu.memory_space<vmem>>
      %dma_wait3A_49 = arith.constant 0 : i32
      %dma_wait3A_50 = tpu.memref_slice %arg7[%dma_wait3A_49] : memref<10240xf32, #tpu.memory_space<vmem_shared>> -> memref<10240xf32, #tpu.memory_space<vmem_shared>>
      tpu.wait_indirect_dma semaphore(%arg9 : memref<!tpu.dma_semaphore, #tpu.memory_space<semaphore_mem>>) src(%arg5 : memref<128xf32, #tpu.memory_space<vmem>>) dst(%dma_wait3A_50 : memref<10240xf32, #tpu.memory_space<vmem_shared>>)
    }
    %scan3A_33 = arith.constant 78 : i32
    %lt3A_34 = arith.constant 4 : i32
    %lt3A_35 = arith.cmpi slt, %add3A, %lt3A_34 : i32
    %convert_element_type3A_36 = arith.extui %lt3A_35 : i1 to i32
    %cond3A_37 = arith.constant 0 : i32
    %cond3A_38 = arith.cmpi ne, %convert_element_type3A_36, %cond3A_37 : i32
    scf.if %cond3A_38 {
      %dma_wait3A = arith.constant 78 : i32
      %dma_wait3A_42 = arith.constant 0 : i32
      %dma_wait3A_43 = tpu.memref_slice %arg4[%dma_wait3A, %dma_wait3A_42] : memref<79x128xi32, #tpu.memory_space<vmem>> -> memref<1x128xi32, #tpu.memory_space<vmem>>
      %dma_wait3A_44 = tpu.memref_squeeze %dma_wait3A_43 : memref<1x128xi32, #tpu.memory_space<vmem>> -> memref<128xi32, #tpu.memory_space<vmem>>
      %dma_wait3A_45 = arith.constant 0 : i32
      %dma_wait3A_46 = tpu.memref_slice %arg7[%dma_wait3A_45] : memref<10240xf32, #tpu.memory_space<vmem_shared>> -> memref<10240xf32, #tpu.memory_space<vmem_shared>>
      tpu.wait_indirect_dma semaphore(%arg9 : memref<!tpu.dma_semaphore, #tpu.memory_space<semaphore_mem>>) src(%arg5 : memref<128xf32, #tpu.memory_space<vmem>>) dst(%dma_wait3A_46 : memref<10240xf32, #tpu.memory_space<vmem_shared>>)
    } else {
    }
    %barrier3A_39 = arith.constant 0 : index
    tpu.barrier barrier_id(%barrier3A_39)
    %mul3A_40 = arith.constant 640 : i32
    %mul3A_41 = arith.muli %arg1, %mul3A_40 : i32
    "tpu.region"() ({
      %run_scoped3A = tpu.sem_alloc : memref<!tpu.dma_semaphore, #tpu.memory_space<semaphore_mem>>
      %dma_start3A = tpu.memref_slice %arg3[%arg0, %mul3A_41] : memref<2x10240xf32, #tpu.memory_space<hbm>> -> memref<1x640xf32, #tpu.memory_space<hbm>>
      %dma_start3A_42 = tpu.memref_squeeze %dma_start3A : memref<1x640xf32, #tpu.memory_space<hbm>> -> memref<640xf32, #tpu.memory_space<hbm>>
      %dma_start3A_43 = tpu.memref_slice %arg7[%mul3A_41] : memref<10240xf32, #tpu.memory_space<vmem_shared>> -> memref<640xf32, #tpu.memory_space<vmem_shared>>
      tpu.enqueue_dma source(%dma_start3A_43 : memref<640xf32, #tpu.memory_space<vmem_shared>>) target(%dma_start3A_42 : memref<640xf32, #tpu.memory_space<hbm>>) target_semaphore(%run_scoped3A : memref<!tpu.dma_semaphore, #tpu.memory_space<semaphore_mem>>)
      %dma_wait3A = tpu.memref_slice %arg3[%arg0, %mul3A_41] : memref<2x10240xf32, #tpu.memory_space<hbm>> -> memref<1x640xf32, #tpu.memory_space<hbm>>
      %dma_wait3A_44 = tpu.memref_squeeze %dma_wait3A : memref<1x640xf32, #tpu.memory_space<hbm>> -> memref<640xf32, #tpu.memory_space<hbm>>
      %dma_wait3A_45 = tpu.memref_slice %arg7[%mul3A_41] : memref<10240xf32, #tpu.memory_space<vmem_shared>> -> memref<640xf32, #tpu.memory_space<vmem_shared>>
      tpu.wait_dma2 semaphore(%run_scoped3A : memref<!tpu.dma_semaphore, #tpu.memory_space<semaphore_mem>>) src(%dma_wait3A_45 : memref<640xf32, #tpu.memory_space<vmem_shared>>) dst(%dma_wait3A_44 : memref<640xf32, #tpu.memory_space<hbm>>)
      tpu.yield
    }) : () -> ()
    return
  }
}

module attributes {stable_mosaic.version = 14 : i64} {
  func.func @_norm_block(%arg0: i32, %arg1: memref<2048x128xf32, #tpu.memory_space<vmem>>, %arg2: memref<2x10240xf32, #tpu.memory_space<vmem>>, %arg3: memref<1xf32, #tpu.memory_space<smem>>, %arg4: memref<2048x128xf32, #tpu.memory_space<vmem>>, %arg5: memref<1x10240xf32, #tpu.memory_space<vmem>>) attributes {dimension_semantics = [#tpu.dimension_semantics<arbitrary>], iteration_bounds = array<i64: 5>, scalar_prefetch = 0 : i64, scratch_operands = 1 : i64, tpu.core_type = #tpu.core_type<tc>, window_params = [{transform_indices = @transform_0, window_bounds = array<i64: 2048, 128>}, {pipeline_mode = #tpu.pipeline_mode<synchronous>, transform_indices = @transform_1, window_bounds = array<i64: 2, 10240>}, {transform_indices = @transform_2, window_bounds = array<i64: 1>}, {transform_indices = @transform_3, window_bounds = array<i64: 2048, 128>}]} {
    %eq3A = arith.constant 0 : i32
    %eq3A_0 = arith.cmpi eq, %arg0, %eq3A : i32
    %convert_element_type3A = arith.extui %eq3A_0 : i1 to i32
    %cond3A = arith.constant 0 : i32
    %cond3A_1 = arith.cmpi ne, %convert_element_type3A, %cond3A : i32
    scf.if %cond3A_1 {
      %get3A_12 = arith.constant 0 : index
      %get3A_13 = arith.constant 0 : index
      %get3A_14 = vector.load %arg2[%get3A_12, %get3A_13] : memref<2x10240xf32, #tpu.memory_space<vmem>>, vector<1x10240xf32>
      %get3A_15 = arith.constant 1 : index
      %get3A_16 = arith.constant 0 : index
      %get3A_17 = vector.load %arg2[%get3A_15, %get3A_16] : memref<2x10240xf32, #tpu.memory_space<vmem>>, vector<1x10240xf32>
      %add3A = arith.addf %get3A_14, %get3A_17 : vector<1x10240xf32>
      %get3A_18 = arith.constant 0 : index
      %get3A_19 = memref.load %arg3[%get3A_18] : memref<1xf32, #tpu.memory_space<smem>>
      %neg3A = arith.constant 0.000000e+00 : f32
      %neg3A_20 = arith.subf %neg3A, %get3A_19 : f32
      %add3A_21 = arith.constant 1.000000e+00 : f32
      %add3A_22 = vector.broadcast %add3A_21 : f32 to vector<1x10240xf32>
      %add3A_23 = arith.addf %add3A, %add3A_22 : vector<1x10240xf32>
      %log3A = math.log %add3A_23 : vector<1x10240xf32>
      %mul3A_24 = vector.broadcast %neg3A_20 : f32 to vector<1x10240xf32>
      %mul3A_25 = arith.mulf %mul3A_24, %log3A : vector<1x10240xf32>
      %exp3A = math.exp %mul3A_25 : vector<1x10240xf32>
      %swap3A_26 = arith.constant 0 : index
      %swap3A_27 = arith.constant 0 : index
      %swap3A_28 = vector.load %arg5[%swap3A_26, %swap3A_27] : memref<1x10240xf32, #tpu.memory_space<vmem>>, vector<1x10240xf32>
      tpu.vector_store %arg5[%swap3A_26, %swap3A_27], %exp3A {strides = array<i32>} : memref<1x10240xf32, #tpu.memory_space<vmem>>, vector<1x10240xf32>,
    } else {
    }
    %mul3A = arith.constant 2048 : i32
    %mul3A_2 = arith.muli %arg0, %mul3A : i32
    %multiple_of3A = tpu.assume_multiple %mul3A_2, 128 : i32
    %get3A = arith.constant 0 : index
    %get3A_3 = arith.index_cast %multiple_of3A : i32 to index
    %get3A_4 = vector.load %arg5[%get3A, %get3A_3] : memref<1x10240xf32, #tpu.memory_space<vmem>>, vector<1x2048xf32>
    %reshape3A = vector.shape_cast %get3A_4 : vector<1x2048xf32> to vector<2048x1xf32>
    %get3A_5 = arith.constant 0 : index
    %get3A_6 = arith.constant 0 : index
    %get3A_7 = vector.load %arg1[%get3A_5, %get3A_6] : memref<2048x128xf32, #tpu.memory_space<vmem>>, vector<2048x128xf32>
    %mul3A_8 = vector.broadcast %reshape3A : vector<2048x1xf32> to vector<2048x128xf32>
    %mul3A_9 = arith.mulf %get3A_7, %mul3A_8 : vector<2048x128xf32>
    %swap3A = arith.constant 0 : index
    %swap3A_10 = arith.constant 0 : index
    %swap3A_11 = vector.load %arg4[%swap3A, %swap3A_10] : memref<2048x128xf32, #tpu.memory_space<vmem>>, vector<2048x128xf32>
    tpu.vector_store %arg4[%swap3A, %swap3A_10], %mul3A_9 {strides = array<i32>} : memref<2048x128xf32, #tpu.memory_space<vmem>>, vector<2048x128xf32>,
    return
  }
  func.func @transform_0(%arg0: i32) -> (i32, i32) {
    %c0_i32 = arith.constant 0 : i32
    %c0_i32_0 = arith.constant 0 : i32
    return %arg0, %c0_i32 : i32, i32
  }
  func.func @transform_1(%arg0: i32) -> (i32, i32) {
    %c0_i32 = arith.constant 0 : i32
    %c0_i32_0 = arith.constant 0 : i32
    %c0_i32_1 = arith.constant 0 : i32
    return %c0_i32, %c0_i32_0 : i32, i32
  }
  func.func @transform_2(%arg0: i32) -> i32 {
    %c0_i32 = arith.constant 0 : i32
    %c0_i32_0 = arith.constant 0 : i32
    return %c0_i32 : i32
  }
  func.func @transform_3(%arg0: i32) -> (i32, i32) {
    %c0_i32 = arith.constant 0 : i32
    %c0_i32_0 = arith.constant 0 : i32
    return %arg0, %c0_i32 : i32, i32
  }
}

</mosaic_0001>

<sc_bundles>
// kernel: kernel.4.cloned.1.call-start
scs
__scs_entry_jumppad:
0x0: {  	(pc) =	sbr.rel $0x88, $3  }
0x1: {  	(tag) =	ssettag $0x0;
	lr =	simm.s32 $0x1  }
0x2: {  	[smem:$0x3F9E] =	sst lr;
	_ =	strace $0xD0000000  }
0x3: {  	_ = 	snop  }
0x4: {  	_ = 	snop  }
0x5: {  	_ = 	snop  }
0x6: {  	_ = 	snop  }
0x7: {  	_ = 	snop  }
__scs_overlays_trampoline_lowered:
0x8: {  	[smem:$0x3FAD] =	sst s0  }
0x9: {  	[smem:$0x3FAE] =	sst s1  }
0xa: {  	[smem:$0x3FAF] =	sst s2  }
0xb: {  	[smem:$0x3FB0] =	sst s3  }
0xc: {  	[smem:$0x3FB1] =	sst s4  }
0xd: {  	[smem:$0x3FB2] =	sst s5  }
0xe: {  	[smem:$0x3FB3] =	sst s6  }
0xf: {  	[smem:$0x3FB4] =	sst s7  }
0x10: {  	[smem:$0x3FB5] =	sst s8  }
0x11: {  	[smem:$0x3FB6] =	sst s9;
	s0 =	simm.s32 @!p0 $0x0  }
0x12: {  	s1 =	sld [smem:$0x3F9C];
	s0 =	simm.s32 @p0 $0x1  }
0x13: {  	[smem:$0x3FB7] =	sst s0;
	s0 =	simm.s32 @!p1 $0x0  }
0x14: {  	s2 =	sld [smem:$0x3F9B];
	s0 =	simm.s32 @p1 $0x1  }
0x15: {  	[smem:$0x3FB8] =	sst s0;
	s0 =	simm.s32 @!p2 $0x0  }
0x16: {  	s3 =	sld [smem:$0x3FDB];
	s0 =	simm.s32 @p2 $0x1  }
0x17: {  	s4 =	simm.s32 $0x1BF5;
	[smem:$0x3FBA] =	sst s0  }
0x18: {  	s0 =	sld [smem:$0x3F9D];
	_ =	swait.ge [sflag:s4], $0x0  }
0x19: {  	s7 =	sld [smem:$0x3F9E]  }
0x1a: {  	s8 =	sadd.s32 $0xFFFFE003, lr  }
0x1b: {  	s9 =	sadd.s32 $0xFFFFFEF7, lr;
	s5 =	simm.s32 $0xFFFFFFFF;
	p2 =	slt.u32 s8, $0xFFFFF086  }
0x1c: {  	p1 =	slt.u32 s9, $0xF7A;
	s5 =	simm.s32 @!p2 $0x0  }
0x1d: {  	s5 =	simm.s32 @p1 $0x1;
	p0 =	seq.s32 s7, s2  }
0x1e: {  	s7 =	smul.u32 @!p0 $0xF7A, s2;
	p2 =	seq.s32 @!p0 s5, $0x0  }
0x1f: {  	s9 =	smul.u32 $0xF7A, s1;
	s8 =	simm.s32 @!p0 $0x1BF5;
	p2 =	por !p2, p0  }
0x20: {  	[sflag:s8] =	ssyncset.s32 @!p0 $0xFFFFF086;
	s6 =	sadd.s32 @!p0 s3, s7;
	s7 =	simm.s32 @!p0 $0x108  }
0x21: {  	s3 =	sadd.s32 s3, s9;
	s6 =	sadd.s32 @!p0 $0x88, s6;
	s7 =	simm.s32 @p2 $0x1082  }
0x22: {  	[simem:s7], [sflag:s8] =	dma.local @!p0 [hbm:s6], $0xF7A  }
0x23: {  	s9 =	sor.u32 $0xD0000000, s2;
	s6 =	simm.s32 $0x108;
	_ =	swait.ge @!p0 [sflag:s8], $0x0  }
0x24: {  	s3 =	sadd.s32 $0x88, s3;
	s6 =	simm.s32 @!p1 $0x1082;
	[sflag:s4] =	ssyncset.s32 $0xFFFFF086  }
0x25: {  	[simem:s6], [sflag:s4] =	dma.local [hbm:s3], $0xF7A  }
0x26: {  	[smem:$0x3F9E] =	sst s1;
	(tag) =	ssettag s2;
	_ =	strace s9  }
0x27: {  	s1 =	sld [smem:$0x3FAE]  }
0x28: {  	s2 =	sld [smem:$0x3FAF]  }
0x29: {  	s4 =	sld [smem:$0x3FB1]  }
0x2a: {  	p0 =	seq.s32 s5, $0x0;
	s5 =	sld [smem:$0x3FB2]  }
0x2b: {  	s6 =	sld [smem:$0x3FB3]  }
0x2c: {  	s7 =	sld [smem:$0x3FB4]  }
0x2d: {  	s3 =	simm.s32 $0x108;
	s8 =	sld [smem:$0x3FB5]  }
0x2e: {  	s3 =	simm.s32 @!p0 $0x1082;
	s9 =	sld [smem:$0x3FB6]  }
0x2f: {  	lr =	sadd.s32 s0, s3;
	s0 =	sld [smem:$0x3FAD]  }
0x30: {  	s3 =	sld [smem:$0x3FB0]  }
0x31: {  	[smem:$0x3FB9] =	sst s10  }
0x32: {  	s10 =	sld [smem:$0x3FB7];
	_ =	sdelay $0x3  }
0x33: {  	p0 =	seq.s32 s10, $0x1;
	s10 =	sld [smem:$0x3FB9];
	_ =	sdelay $0x3  }
0x34: {  	[smem:$0x3FB9] =	sst s10  }
0x35: {  	s10 =	sld [smem:$0x3FB8];
	_ =	sdelay $0x3  }
0x36: {  	p1 =	seq.s32 s10, $0x1;
	s10 =	sld [smem:$0x3FB9];
	_ =	sdelay $0x3  }
0x37: {  	[smem:$0x3FB9] =	sst s10  }
0x38: {  	s10 =	sld [smem:$0x3FBA]  }
0x39: {  	_ = 	snop;
	(pc) =	sbr.ind lr, $3  }
0x3a: {  	_ = 	snop  }
0x3b: {  	_ = 	snop  }
0x3c: {  	p2 =	seq.s32 s10, $0x1;
	s10 =	sld [smem:$0x3FB9]  }
0x3d: {  	_ =	shalt  }
0x3e: {  	_ =	shalt  }
0x3f: {  	_ =	shalt  }
0x40: {  	_ =	shalt  }
0x41: {  	_ =	shalt  }
0x42: {  	_ =	shalt  }
0x43: {  	_ =	shalt  }
0x44: {  	_ =	shalt  }
0x45: {  	_ =	shalt  }
0x46: {  	_ =	shalt  }
0x47: {  	_ =	shalt  }
0x48: {  	_ =	shalt  }
0x49: {  	_ =	shalt  }
0x4a: {  	_ =	shalt  }
0x4b: {  	_ =	shalt  }
0x4c: {  	_ =	shalt  }
0x4d: {  	_ =	shalt  }
0x4e: {  	_ =	shalt  }
0x4f: {  	_ =	shalt  }
0x50: {  	_ =	shalt  }
0x51: {  	_ =	shalt  }
0x52: {  	_ =	shalt  }
0x53: {  	_ =	shalt  }
0x54: {  	_ =	shalt  }
0x55: {  	_ =	shalt  }
0x56: {  	_ =	shalt  }
0x57: {  	_ =	shalt  }
0x58: {  	_ =	shalt  }
0x59: {  	_ =	shalt  }
0x5a: {  	_ =	shalt  }
0x5b: {  	_ =	shalt  }
0x5c: {  	_ =	shalt  }
0x5d: {  	_ =	shalt  }
0x5e: {  	_ =	shalt  }
0x5f: {  	_ =	shalt  }
0x60: {  	_ =	shalt  }
0x61: {  	_ =	shalt  }
0x62: {  	_ =	shalt  }
0x63: {  	_ =	shalt  }
0x64: {  	_ =	shalt  }
0x65: {  	_ =	shalt  }
0x66: {  	_ =	shalt  }
0x67: {  	_ =	shalt  }
0x68: {  	_ =	shalt  }
0x69: {  	_ =	shalt  }
0x6a: {  	_ =	shalt  }
0x6b: {  	_ =	shalt  }
0x6c: {  	_ =	shalt  }
0x6d: {  	_ =	shalt  }
0x6e: {  	_ =	shalt  }
0x6f: {  	_ =	shalt  }
0x70: {  	_ =	shalt  }
0x71: {  	_ =	shalt  }
0x72: {  	_ =	shalt  }
0x73: {  	_ =	shalt  }
0x74: {  	_ =	shalt  }
0x75: {  	_ =	shalt  }
0x76: {  	_ =	shalt  }
0x77: {  	_ =	shalt  }
0x78: {  	_ =	shalt  }
0x79: {  	_ =	shalt  }
0x7a: {  	_ =	shalt  }
0x7b: {  	_ =	shalt  }
0x7c: {  	_ =	shalt  }
0x7d: {  	_ =	shalt  }
0x7e: {  	_ =	shalt  }
0x7f: {  	_ =	shalt  }
0x80: {  	_ =	shalt  }
0x81: {  	_ =	shalt  }
0x82: {  	_ =	shalt  }
0x83: {  	_ =	shalt  }
0x84: {  	_ =	shalt  }
0x85: {  	_ =	shalt  }
0x86: {  	_ =	shalt  }
0x87: {  	_ =	shalt  }
.Lfunc_end0:
.L_simem_size_0:
called_computation_lowered:
.L_overlay_start_0:
0x88: {  	s2 =	sld [smem:$0x3FD9]  }
0x89: {  	s3 =	sld [smem:$0x3FFE];
	_ =	sdelay $0x1  }
0x8a: {  	s1 =	srdreg.scid  }
0x8b: {  	s0 =	sand.u32 $0x1, s1  }
0x8c: {  	s18 =	sshll.u32 s0, $0xA;
	s2 =	sadd.s32 s3, s2  }
0x8d: {  	s2 =	sadd.s32 s2, s18  }
0x8e: {  	[smem:$0x3FC5] =	sst s2  }
0x8f: {  	_ = 	snop  }
0x90: {  	s2 =	sld [smem:$0x3FC8]  }
0x91: {  	s19 =	sld [smem:$0x3FD0];
	(tm) =	ssettm $0x1  }
0x92: {  	s4 =	sld [smem:$0x3FFB];
	_ =	sdelay $0x3  }
0x93: {  	_ =	strace s4  }
0x94: {  	s4 =	sld [smem:$0x3FFC];
	_ =	sdelay $0x3  }
0x95: {  	_ =	strace s4  }
0x96: {  	s4 =	sld [smem:$0x3FFD];
	_ =	sdelay $0x3  }
0x97: {  	_ =	strace s4  }
0x98: {  	_ =	strace $0x8FFFFFFF  }
0x99: {  	s20 =	sld [smem:$0x3FDB];
	_ =	sdelay $0x1  }
0x9a: {  	s5 =	simm.s32 $_scs_section_size  }
0x9b: {  	s6 =	simm.s32 $_size__tile_overlayer_lowered;
	s7 =	simm.s32 $_tile_overlayer_lowered  }
0x9c: {  	s23 =	simm.s32 $0x1BFF;
	s22 =	sshll.u32 s7, $0x1;
	s4 =	sadd.s32 s5, s20  }
0x9d: {  	s8 =	simm.s32 $0x0;
	s21 =	sshll.u32 s6, $0x1;
	s6 =	sadd.s32 s22, s4  }
0x9e: {  	[timem:s8], [sflag:s23] =	dma.local [hbm:s6], s21  }
0x9f: {  	_ =	swait.ge [sflag:s23], s21  }
0xa0: {  	s5 =	ssub.s32 $0x0, s21;
	[sflag:s23] =	ssyncset.done $0x0  }
0xa1: {  	[sflag:s23] =	ssyncadd.s32 s5;
	_ =	sdelay $0x1  }
0xa2: {  	s24 =	simm.s32 $0x1B8B  }
0xa3: {  	_ =	swait.ge [sflag:s24], $0x1  }
0xa4: {  	[sflag:s24] =	ssyncset.done $0x0  }
0xa5: {  	s25 =	simm.s32 $0x1B8E;
	[sflag:s24] =	ssyncadd.s32 $0xFFFFFFFF  }
0xa6: {  	s26 =	simm.s32 $execute0_lowered;
	[smem:$0x3FD2] =	sst s25  }
0xa7: {  	s5 =	sshll.u32 s26, $0x1;
	_ =	strace $0x80000046;
	[dreg:$0x1] =	wrdreg $0xFFFFFFFF  }
0xa8: {  	s28 =	simm.s32 $_size_execute0_lowered;
	s4 =	sadd.s32 s4, s5;
	[dreg:$0x0] =	wrdreg $0x0  }
0xa9: {  	s5 =	sshll.u32 s28, $0x1;
	[dreg:$0x2] =	wrdreg s4  }
0xaa: {  	[dreg:$0x3] =	wrdreg s5  }
0xab: {  	[dreg:$0x4] =	wrdreg $0xC0  }
0xac: {  	_ =	task [dreg:s8], $0x5FFFF  }
0xad: {  	[dreg:$0x1] =	wrdreg $0xFFFFFFFF  }
0xae: {  	[dreg:$0x0] =	wrdreg $0x60  }
0xaf: {  	[dreg:$0x2] =	wrdreg s2  }
0xb0: {  	[dreg:$0x3] =	wrdreg s19  }
0xb1: {  	[dreg:$0x4] =	wrdreg $0x2B000  }
0xb2: {  	[dreg:$0x5] =	wrdreg $0x9  }
0xb3: {  	_ =	task.clear_ibuf [dreg:s8], $0x6FFFF;
	_ =	strace $0x90000046  }
0xb4: {  	s29 =	simm.s32 $0x9;
	_ =	strace $0x80000048  }
0xb5: {  	_ =	swait.ge [sflag:s29], $0x1  }
0xb6: {  	[sflag:s29] =	ssyncadd.s32 $0xFFFFFFFF  }
0xb7: {  	_ =	strace $0x90000048  }
0xb8: {  	_ =	sfence  }
0xb9: {  	s30 =	sld [smem:$0x0];
	_ =	sdelay $0x2  }
0xba: {  	s31 =	sshll.u32 s1, $0xD;
	s1 =	sshrl.u32 s1, $0x2  }
0xbb: {  	s3 =	sand.u32 $0x4000, s31;
	s1 =	sadd.s32 s1, s30  }
0xbc: {  	s0 =	sor.u32 s3, s0;
	s1 =	sshll.u32 s1, $0x11  }
0xbd: {  	s0 =	sor.u32 s1, s0  }
0xbe: {  	s0 =	sadd.s32 $0x8F2B, s0  }
0xbf: {  	[sflag:s0] =	ssyncadd.remote.s32 $0x1  }
0xc0: {  	_ =	sfence.sel $0xFFFF  }
0xc1: {  	[dreg:$0x0] =	wrdreg $0xFFFFFFFF;
	(pc) =	sbr.abs _section_cstart, $3  }
0xc2: {  	[dreg:$0x1] =	wrdreg $0xFFFFFFFF  }
0xc3: {  	_ =	task.clear_ibuf [dreg:s8], $0x2FFFF;
	_ =	strace $0x9FFFFFFF  }
0xc4: {  	(tm) =	ssettm $0x7FFFFFFF  }
0xc5: {  	_ =	shalt  }
tec
execute0_lowered:
.L_overlay_start_1:
0x0: {  	(tag) =	ssettag $0x1  }
0x1: {  	s4 =	rddreg [dreg:$0x0]  }
0x2: {  	s6 =	rddreg [dreg:$0x1]  }
0x3: {  	s1 =	rddreg [dreg:$0x2]  }
0x4: {  	s3 =	srdreg.scid;
	s0 =	rddreg [dreg:$0x3];
	s2 =	simm.s32 $0x0  }
0x5: {  	s14 =	simm.s32 $0x2;
	s17 =	simm.s32 $0x20;
	s18 =	simm.s32 $0x10  }
0x6: {  	s19 =	simm.s32 $0x0;
	s7 =	sand.u32 $0x1, s3;
	[smem:$0x7FF] =	sst s2  }
0x7: {  	s3 =	stileid.u32;
	s5 =	ssub.s32 $0x2, s7;
	_ =	strace $0x80000047  }
0x8: {  	s26 =	sshll.u32 s7, $0x4;
	s9 =	smul.u32 $0x500, s3;
	s10 =	sshll.u32 s3, $0x5  }
0x9: {  	s11 =	smul.u32 $0xA00, s3;
	s12 =	sshll.u32 s7, $0x7;
	s31 =	sshll.u32 s7, $0x9  }
0xa: {  	s15 =	sshll.u32 s3, $0x6;
	s8 =	sshrl.u32 s5, $0x1;
	s13 =	sor.u32 s3, s26  }
0xb: {  	s10 =	sadd.s32 s10, s4;
	s15 =	sor.u32 $0x1C03, s15;
	s8 =	ssub.s32 s5, s8  }
0xc: {  	s28 =	sor.u32 s12, s9;
	s4 =	sadd.s32 $0x13800, s10;
	s29 =	sshrl.u32 s11, $0x2  }
0xd: {  	p0 =	sgt.u32 s13, $0x3;
	s9 =	simm.s32 $0x2880;
	s11 =	simm.s32 $0x1  }
0xe: {  	s12 =	simm.s32 $0x80;
	s13 =	simm.s32 $0x2800;
	s30 =	sshrl.u32 s28, $0x3  }
0xf: {  	s5 =	sadd.s32 s29, s1;
	s7 =	smax.u32 s8, $0x1;
	s8 =	sadd.s32 s31, s10  }
0x10: {  	v0 =	vimm.f32 $1.000000000e+00;
	v1 =	vimm.f32 $0.0e+00;
	s10 =	simm.s32 $0x3;
	s6 =	sadd.s32 s6, s30;
	s16 =	sshrl.u32 s5, $0x3  }
.LBB2_1:
0x11: {  	[tilespmem:$0x2800] =	vst v0  }
0x12: {  	[tilespmem:$0x2810] =	vst v0  }
0x13: {  	[tilespmem:$0x2820] =	vst v0  }
0x14: {  	[tilespmem:$0x2830] =	vst v0  }
0x15: {  	[tilespmem:$0x2840] =	vst v0  }
0x16: {  	[tilespmem:$0x2850] =	vst v0  }
0x17: {  	[tilespmem:$0x2860] =	vst v0  }
0x18: {  	[tilespmem:$0x2870] =	vst v0  }
0x19: {  	[tilespmem:$0x2880] =	vst v1  }
0x1a: {  	[tilespmem:$0x2890] =	vst v1  }
0x1b: {  	[tilespmem:$0x28A0] =	vst v1  }
0x1c: {  	[tilespmem:$0x28B0] =	vst v1  }
0x1d: {  	[tilespmem:$0x28C0] =	vst v1  }
0x1e: {  	[tilespmem:$0x28D0] =	vst v1  }
0x1f: {  	[tilespmem:$0x28E0] =	vst v1  }
0x20: {  	[tilespmem:$0x28F0] =	vst v1  }
0x21: {  	[tilespmem:$0x2900] =	vst v1  }
0x22: {  	[tilespmem:$0x2910] =	vst v1  }
0x23: {  	[tilespmem:$0x2920] =	vst v1  }
0x24: {  	[tilespmem:$0x2930] =	vst v1  }
0x25: {  	[tilespmem:$0x2940] =	vst v1  }
0x26: {  	[tilespmem:$0x2950] =	vst v1  }
0x27: {  	[tilespmem:$0x2960] =	vst v1  }
0x28: {  	[tilespmem:$0x2970] =	vst v1  }
0x29: {  	[tilespmem:$0x2980] =	vst v1  }
0x2a: {  	[tilespmem:$0x2990] =	vst v1  }
0x2b: {  	[tilespmem:$0x29A0] =	vst v1  }
0x2c: {  	[tilespmem:$0x29B0] =	vst v1  }
0x2d: {  	[tilespmem:$0x29C0] =	vst v1  }
0x2e: {  	[tilespmem:$0x29D0] =	vst v1  }
0x2f: {  	[tilespmem:$0x29E0] =	vst v1  }
0x30: {  	[tilespmem:$0x29F0] =	vst v1  }
0x31: {  	[tilespmem:$0x2A00] =	vst v1  }
0x32: {  	[tilespmem:$0x2A10] =	vst v1  }
0x33: {  	[tilespmem:$0x2A20] =	vst v1  }
0x34: {  	[tilespmem:$0x2A30] =	vst v1  }
0x35: {  	[tilespmem:$0x2A40] =	vst v1  }
0x36: {  	[tilespmem:$0x2A50] =	vst v1  }
0x37: {  	[tilespmem:$0x2A60] =	vst v1  }
0x38: {  	[tilespmem:$0x2A70] =	vst v1  }
0x39: {  	[tilespmem:$0x2A80] =	vst v1  }
0x3a: {  	[tilespmem:$0x2A90] =	vst v1  }
0x3b: {  	[tilespmem:$0x2AA0] =	vst v1  }
0x3c: {  	[tilespmem:$0x2AB0] =	vst v1  }
0x3d: {  	[tilespmem:$0x2AC0] =	vst v1  }
0x3e: {  	[tilespmem:$0x2AD0] =	vst v1  }
0x3f: {  	[tilespmem:$0x2AE0] =	vst v1;
	s20 =	simm.s32 $0x200  }
0x40: {  	[tilespmem:$0x2AF0] =	vst v1;
	s23 =	simm.s32 $0x0;
	s21 =	sadd.s32 $0x400, s8;
	s22 =	smov.u32 s8  }
.LBB2_2:
0x41: {  	[tilespmem:s23], [sflag:$0x1] =	stream.linear.gather [hbm4b:s22+s2], $0x80, $0x38;
	[tilespmem:$0x2D80] =	vst v63  }
0x42: {  	s23 =	smov.u32 s20;
	s22 =	smov.u32 s21;
	p1 =	sne.s32 s20, $0x9A00  }
.Ltmp0:
0x43: {  	s20 =	sadd.s32 $0x200, s20;
	(pc) =	sbr.rel @p1 .LBB2_2-.Ltmp0, $2  }
0x44: {  	_ =	sdelay $0x2  }
0x45: {  	s21 =	sadd.s32 $0x400, s21;
	s23 =	sshra.s32 s23, $0x2  }
0x46: {  	[tilespmem:s23], [sflag:$0x1] =	stream.linear.gather [hbm4b:s22+s2], $0x80, $0x38;
	[tilespmem:$0x2D80] =	vst v63  }
0x47: {  	s20 =	simm.s32 @!p0 $0x0;
	s21 =	simm.s32 @!p0 $0x2700  }
0x48: {  	[tilespmem:s21], [sflag:$0x1] =	stream.linear.gather @!p0 [hbm4b:s4+s20], $0x80, $0x38;
	[tilespmem:$0x2D80] =	vst v63  }
0x49: {  	_ = 	snop  }
0x4a: {  	[spmem:s5] =	stream.linear.scatter [tilespmem:s9], [sflag:$0x3], $0x280, $0x38;
	[tilespmem:$0x2D80] =	vst v63  }
0x4b: {  	_ =	swait.ge [sflag:s10], $0x280  }
0x4c: {  	[sflag:s10] =	ssyncset.done $0x0  }
0x4d: {  	[sflag:s10] =	ssyncadd.s32 $0xFFFFFD80  }
0x4e: {  	[bflag:$0x0] =	sbarrier.arrive $0xFFFF  }
0x4f: {  	_ =	swait.ge [sflag:s11], $0x80  }
0x50: {  	[sflag:s11] =	ssyncset.done $0x0  }
0x51: {  	s20 =	simm.s32 $0x200;
	s21 =	simm.s32 $0x0;
	[sflag:s11] =	ssyncadd.s32 $0xFFFFFF80  }
.LBB2_4:
0x52: {  	[spmem:s1] =	stream.indirect.scatter.add.f32 [tilespmem:s13], [sflag:$0x2], $0x1, s21, s12, $0xb8;
	[tilespmem:$0x2D80] =	vst v63  }
0x53: {  	s21 =	smov.u32 s20;
	p1 =	sne.s32 s20, $0x9A00  }
.Ltmp1:
0x54: {  	s20 =	sadd.s32 $0x200, s20;
	(pc) =	sbr.rel @p1 .LBB2_4-.Ltmp1, $4  }
0x55: {  	_ = 	snop  }
0x56: {  	_ =	swait.ge [sflag:s11], $0x80  }
0x57: {  	[sflag:s11] =	ssyncset.done $0x0  }
0x58: {  	s21 =	sshra.s32 s21, $0x2;
	[sflag:s11] =	ssyncadd.s32 $0xFFFFFF80  }
0x59: {  	[spmem:s1] =	stream.indirect.scatter.add.f32 [tilespmem:s13], [sflag:$0x2], $0x1, s21, s12, $0xb8;
	[tilespmem:$0x2D80] =	vst v63  }
0x5a: {  	s20 =	simm.s32 @!p0 $0x1  }
0x5b: {  	_ =	swait.ge @!p0 [sflag:s20], $0x80  }
0x5c: {  	s21 =	simm.s32 @!p0 $0x2700;
	[sflag:s20] =	ssyncset.done @!p0 $0x0  }
0x5d: {  	s22 =	simm.s32 @!p0 $0x2800;
	[sflag:s20] =	ssyncadd.s32 @!p0 $0xFFFFFF80;
	s20 =	simm.s32 @!p0 $0x80  }
0x5e: {  	[spmem:s1] =	stream.indirect.scatter.add.f32 @!p0 [tilespmem:s22], [sflag:$0x2], $0x1, s21, s20, $0xb8;
	[tilespmem:$0x2D80] =	vst v63  }
0x5f: {  	_ =	swait.ge [sflag:s14], $0x80  }
0x60: {  	s20 =	simm.s32 $0x4D;
	[sflag:s14] =	ssyncset.done $0x0  }
.LBB2_6:
0x61: {  	p1 =	sne.s32 s20, $0x1;
	s20 =	sadd.s32 $0xFFFFFFFF, s20;
	[sflag:s14] =	ssyncadd.s32 $0xFFFFFF80  }
.Ltmp2:
0x62: {  	(pc) =	sbr.rel @p1 .LBB2_6-.Ltmp2, $3  }
0x63: {  	_ =	sdelay $0x1  }
0x64: {  	_ =	swait.ge [sflag:s14], $0x80  }
0x65: {  	[sflag:s14] =	ssyncset.done $0x0  }
0x66: {  	[sflag:s14] =	ssyncadd.s32 $0xFFFFFF80;
	s20 =	simm.s32 @!p0 $0x2  }
0x67: {  	_ =	swait.ge @!p0 [sflag:s20], $0x80  }
0x68: {  	s19 =	sadd.s32 $0x1, s19;
	[sflag:s20] =	ssyncset.done @!p0 $0x0  }
0x69: {  	p1 =	sne.s32 s19, s7;
	[sflag:s20] =	ssyncadd.s32 @!p0 $0xFFFFFF80  }
.Ltmp3:
0x6a: {  	[bflag:$0x0] =	sbarrier.arrive $0xFFFF;
	(pc) =	sbr.rel @p1 .LBB2_1-.Ltmp3, $4  }
0x6b: {  	[hbm:s6@s17], [sflag:s15] =	dma.strided [spmem:s16@s18], $0x50, s11, $0x10   }
0x6c: {  	_ =	swait.ge [sflag:s10], $0x50  }
0x6d: {  	[sflag:s10] =	ssyncset.done $0x0  }
0x6e: {  	[sflag:s10] =	ssyncadd.s32 $0xFFFFFFB0  }
0x6f: {  	_ =	sfence.sel $0x180000  }
0x70: {  	[bflag:$0x0] =	sbarrier.arrive $0xFFFF  }
0x71: {  	p0 =	sne.s32 s3, $0x0;
	_ =	strace $0x90000047  }
0x72: {  	s0 =	sadd.s32 @!p0 $0x100000, s0;
	[bflag:$0x2] =	sbarrier.arrive $0xFFFF  }
0x73: {  	[sflag:s0] =	ssyncadd.tile.s32 @!p0 $0x1;
	_ =	shalt  }
.Lfunc_end2:
_tile_overlayer_lowered:
.L_overlay_start_2:
0x74: {  	(tag) =	ssettag $0x2  }
0x75: {  	s0 =	rddreg [dreg:$0x0];
	s2 =	stileid.u32  }
0x76: {  	s1 =	rddreg [dreg:$0x1];
	p0 =	sne.s32 s2, $0x0  }
0x77: {  	s3 =	rddreg [dreg:$0x2];
	[bflag:$0x3] =	sbarrier.arrive $0xFFFF;
	s2 =	simm.s32 @!p0 $0x1C03  }
0x78: {  	[timem:s3], [sflag:s2] =	dma.local @!p0 [hbm:s0], s1  }
0x79: {  	s0 =	simm.s32 @!p0 $0x3  }
0x7a: {  	_ =	swait.ge @!p0 [sflag:s0], s1  }
0x7b: {  	s1 =	ssub.s32 @!p0 $0x0, s1;
	[sflag:s0] =	ssyncset.done @!p0 $0x0  }
0x7c: {  	[sflag:s0] =	ssyncadd.s32 @!p0 s1  }
0x7d: {  	[bflag:$0x3] =	sbarrier.arrive $0xFFFF  }
0x7e: {  	_ =	shalt  }

</sc_bundles>
